<compile_context>
chip_gen: v7x
topology: tpu7x:2x2x1
jax: 0.10.2.dev20260603
libtpu: 0.0.44.dev20260713+nightly
codegen_flags: <defaults>
</compile_context>

<pallas_src>
import jax
import jax.numpy as jnp
from jax.experimental import pallas as pl
from jax.experimental.pallas import tpu as pltpu

_G = 76
_CELLS = _G * _G
_NA = 3
_ATTRS = 85
_STRIDE = 8.0
_ANCH_W = (10.0, 16.0, 33.0)
_ANCH_H = (13.0, 30.0, 23.0)


def _dl_kernel(x_ref, o_ref):
    v = x_ref[0]
    r = jax.lax.broadcasted_iota(jnp.int32, v.shape, 0)
    j = jax.lax.broadcasted_iota(jnp.int32, v.shape, 1)
    colf = (j % _G).astype(jnp.float32)
    rowf = (j // _G).astype(jnp.float32)
    a = r // _ATTRS
    attr = r - a * _ATTRS
    aw = jnp.where(a == 0, _ANCH_W[0], jnp.where(a == 1, _ANCH_W[1], _ANCH_W[2]))
    ah = jnp.where(a == 0, _ANCH_H[0], jnp.where(a == 1, _ANCH_H[1], _ANCH_H[2]))
    is_w = attr == 2
    is_wh = is_w | (attr == 3)
    e = jnp.exp(jnp.where(is_wh, v, -v))
    val = jnp.where(is_wh, e * jnp.where(is_w, aw, ah), 1.0 / (1.0 + e))
    off = jnp.where(attr == 0, colf, jnp.where(attr == 1, rowf, 0.0))
    scale = jnp.where(attr < 2, _STRIDE, 1.0)
    val = (val + off) * scale
    o_ref[0] = val.T


def kernel(x):
    b = x.shape[0]
    xf = x.reshape(b, _NA * _ATTRS, _CELLS)
    out = pl.pallas_call(
        _dl_kernel,
        grid=(b,),
        in_specs=[pl.BlockSpec((1, _NA * _ATTRS, _CELLS), lambda bi: (bi, 0, 0))],
        out_specs=pl.BlockSpec((1, _CELLS, _NA * _ATTRS), lambda bi: (bi, 0, 0)),
        out_shape=jax.ShapeDtypeStruct((b, _CELLS, _NA * _ATTRS), jnp.float32),
        compiler_params=pltpu.CompilerParams(
            dimension_semantics=("parallel",),
        ),
    )(xf)
    return out.reshape(b, _CELLS * _NA, _ATTRS)

# --- scband reference (transcript-rebuilt; emitter-appended) ---
"""Pipeline reference for scband-detection-layer-11098195492991 (READ-ONLY COPY).

The authoritative reference and input builder live on the scoring server;
editing this copy changes nothing except your own understanding.
"""

import jax, jax.numpy as jnp
import numpy as np

ANCHORS = [(10.0, 13.0), (16.0, 30.0), (33.0, 23.0)]
INP_DIM = 608
NUM_CLASSES = 80


def setup_inputs(seed: int = 0) -> dict:
    key = jax.random.key(seed)
    x = jax.random.normal(key, (8, 255, 76, 76), dtype=jnp.float32)
    return {"x": x}


def reference(x):
    # flattenPredict: standard YOLO predict_transform for inference path
    batch = x.shape[0]
    grid = x.shape[2]
    stride = INP_DIM // grid
    nA = len(ANCHORS)
    bbox_attrs = 5 + NUM_CLASSES
    # [B, nA*bbox, G*G] -> [B, G*G, nA*bbox] -> [B, G*G*nA, bbox]
    pred = x.reshape(batch, bbox_attrs * nA, grid * grid)
    pred = jnp.transpose(pred, (0, 2, 1))
    pred = pred.reshape(batch, grid * grid * nA, bbox_attrs)
    scaled_anchors = jnp.array(ANCHORS, dtype=jnp.float32) / float(stride)
    # sigmoid xy, conf, class probs
    xy = jax.nn.sigmoid(pred[..., 0:2])
    conf = jax.nn.sigmoid(pred[..., 4:5])
    cls = jax.nn.sigmoid(pred[..., 5:])
    # grid offsets (meshgrid 'xy': a varies along x/columns, b along y/rows)
    g = jnp.arange(grid, dtype=jnp.float32)
    a, b = jnp.meshgrid(g, g)
    offsets = jnp.stack([a.reshape(-1), b.reshape(-1)], axis=1)  # [G*G, 2]
    offsets = jnp.repeat(offsets, nA, axis=0)[None, :, :]  # cell-major, anchor-minor
    xy = xy + offsets
    # anchors tiled per cell (anchor-minor)
    anch = jnp.tile(scaled_anchors, (grid * grid, 1))[None, :, :]
    wh = jnp.exp(pred[..., 2:4]) * anch
    boxes = jnp.concatenate([xy, wh], axis=-1) * float(stride)
    out = jnp.concatenate([boxes, conf, cls], axis=-1)
    return out

if __name__ == "__main__":
    import jax
    _d = setup_inputs()
    print(jax.jit(kernel)(*tuple(_d.values())))

</pallas_src>

<mosaic_0001>
module attributes {stable_mosaic.version = 14 : i64} {
  func.func @_dl_kernel(%arg0: i32, %arg1: memref<1x255x5776xf32, #tpu.memory_space<vmem>>, %arg2: memref<1x5776x255xf32, #tpu.memory_space<vmem>>) attributes {dimension_semantics = [#tpu.dimension_semantics<parallel>], iteration_bounds = array<i64: 8>, scalar_prefetch = 0 : i64, scratch_operands = 0 : i64, tpu.core_type = #tpu.core_type<tc>, window_params = [{transform_indices = @transform_0, window_bounds = array<i64: 1, 255, 5776>}, {transform_indices = @transform_1, window_bounds = array<i64: 1, 5776, 255>}]} {
    %get3A = arith.constant 0 : index
    %get3A_0 = arith.constant 0 : index
    %get3A_1 = arith.constant 0 : index
    %get3A_2 = vector.load %arg1[%get3A, %get3A_0, %get3A_1] : memref<1x255x5776xf32, #tpu.memory_space<vmem>>, vector<1x255x5776xf32>
    %get3A_3 = vector.shape_cast %get3A_2 : vector<1x255x5776xf32> to vector<255x5776xf32>
    %iota3A = tpu.iota {dimensions = array<i32: 0>} : vector<255x5776xi32>
    %iota3A_4 = tpu.iota {dimensions = array<i32: 1>} : vector<255x5776xi32>
    %jit3A = arith.constant 76 : i32
    %eq3A = arith.constant 0 : i32
    %eq3A_5 = arith.cmpi eq, %jit3A, %eq3A : i32
    %jit3A_6 = arith.constant 1 : i32
    %select_n3A = arith.select %eq3A_5, %jit3A_6, %jit3A : i32
    %rem3A = vector.broadcast %select_n3A : i32 to vector<255x5776xi32>
    %rem3A_7 = arith.remsi %iota3A_4, %rem3A : vector<255x5776xi32>
    %ne3A = arith.constant 0 : i32
    %ne3A_8 = vector.broadcast %ne3A : i32 to vector<255x5776xi32>
    %ne3A_9 = arith.cmpi ne, %rem3A_7, %ne3A_8 : vector<255x5776xi32>
    %lt3A = arith.constant 0 : i32
    %lt3A_10 = vector.broadcast %lt3A : i32 to vector<255x5776xi32>
    %lt3A_11 = arith.cmpi slt, %rem3A_7, %lt3A_10 : vector<255x5776xi32>
    %lt3A_12 = arith.constant 0 : i32
    %lt3A_13 = arith.cmpi slt, %select_n3A, %lt3A_12 : i32
    %ne3A_14 = vector.broadcast %lt3A_13 : i1 to vector<255x5776xi1>
    %ne3A_15 = vector.broadcast %ne3A_14 : vector<255x5776xi1> to vector<255x5776xi1>
    %ne3A_16 = arith.xori %lt3A_11, %ne3A_15 : vector<255x5776xi1>
    %and3A = arith.andi %ne3A_16, %ne3A_9 : vector<255x5776xi1>
    %add3A = vector.broadcast %select_n3A : i32 to vector<255x5776xi32>
    %add3A_17 = arith.addi %rem3A_7, %add3A : vector<255x5776xi32>
    %select_n3A_18 = arith.select %and3A, %add3A_17, %rem3A_7 : vector<255x5776xi1>, vector<255x5776xi32>
    %convert_element_type3A = arith.sitofp %select_n3A_18 : vector<255x5776xi32> to vector<255x5776xf32>
    %jit3A_19 = arith.constant 76 : i32
    %div3A = vector.broadcast %jit3A_19 : i32 to vector<255x5776xi32>
    %div3A_20 = arith.divsi %iota3A_4, %div3A : vector<255x5776xi32>
    %sign3A = arith.constant 0 : i32
    %sign3A_21 = vector.broadcast %sign3A : i32 to vector<255x5776xi32>
    %sign3A_22 = arith.cmpi sgt, %iota3A_4, %sign3A_21 : vector<255x5776xi32>
    %sign3A_23 = arith.extui %sign3A_22 : vector<255x5776xi1> to vector<255x5776xi32>
    %sign3A_24 = arith.constant 0 : i32
    %sign3A_25 = vector.broadcast %sign3A_24 : i32 to vector<255x5776xi32>
    %sign3A_26 = arith.cmpi slt, %iota3A_4, %sign3A_25 : vector<255x5776xi32>
    %sign3A_27 = arith.extui %sign3A_26 : vector<255x5776xi1> to vector<255x5776xi32>
    %sign3A_28 = arith.subi %sign3A_23, %sign3A_27 : vector<255x5776xi32>
    %sign3A_29 = arith.constant 0 : i32
    %sign3A_30 = arith.cmpi sgt, %jit3A_19, %sign3A_29 : i32
    %sign3A_31 = arith.extui %sign3A_30 : i1 to i32
    %sign3A_32 = arith.constant 0 : i32
    %sign3A_33 = arith.cmpi slt, %jit3A_19, %sign3A_32 : i32
    %sign3A_34 = arith.extui %sign3A_33 : i1 to i32
    %sign3A_35 = arith.subi %sign3A_31, %sign3A_34 : i32
    %ne3A_36 = vector.broadcast %sign3A_35 : i32 to vector<255x5776xi32>
    %ne3A_37 = arith.cmpi ne, %sign3A_28, %ne3A_36 : vector<255x5776xi32>
    %rem3A_38 = vector.broadcast %jit3A_19 : i32 to vector<255x5776xi32>
    %rem3A_39 = arith.remsi %iota3A_4, %rem3A_38 : vector<255x5776xi32>
    %ne3A_40 = arith.constant 0 : i32
    %ne3A_41 = vector.broadcast %ne3A_40 : i32 to vector<255x5776xi32>
    %ne3A_42 = arith.cmpi ne, %rem3A_39, %ne3A_41 : vector<255x5776xi32>
    %and3A_43 = arith.andi %ne3A_37, %ne3A_42 : vector<255x5776xi1>
    %sub3A = arith.constant 1 : i32
    %sub3A_44 = vector.broadcast %sub3A : i32 to vector<255x5776xi32>
    %sub3A_45 = arith.subi %div3A_20, %sub3A_44 : vector<255x5776xi32>
    %select_n3A_46 = arith.select %and3A_43, %sub3A_45, %div3A_20 : vector<255x5776xi1>, vector<255x5776xi32>
    %convert_element_type3A_47 = arith.sitofp %select_n3A_46 : vector<255x5776xi32> to vector<255x5776xf32>
    %jit3A_48 = arith.constant 85 : i32
    %div3A_49 = vector.broadcast %jit3A_48 : i32 to vector<255x5776xi32>
    %div3A_50 = arith.divsi %iota3A, %div3A_49 : vector<255x5776xi32>
    %sign3A_51 = arith.constant 0 : i32
    %sign3A_52 = vector.broadcast %sign3A_51 : i32 to vector<255x5776xi32>
    %sign3A_53 = arith.cmpi sgt, %iota3A, %sign3A_52 : vector<255x5776xi32>
    %sign3A_54 = arith.extui %sign3A_53 : vector<255x5776xi1> to vector<255x5776xi32>
    %sign3A_55 = arith.constant 0 : i32
    %sign3A_56 = vector.broadcast %sign3A_55 : i32 to vector<255x5776xi32>
    %sign3A_57 = arith.cmpi slt, %iota3A, %sign3A_56 : vector<255x5776xi32>
    %sign3A_58 = arith.extui %sign3A_57 : vector<255x5776xi1> to vector<255x5776xi32>
    %sign3A_59 = arith.subi %sign3A_54, %sign3A_58 : vector<255x5776xi32>
    %sign3A_60 = arith.constant 0 : i32
    %sign3A_61 = arith.cmpi sgt, %jit3A_48, %sign3A_60 : i32
    %sign3A_62 = arith.extui %sign3A_61 : i1 to i32
    %sign3A_63 = arith.constant 0 : i32
    %sign3A_64 = arith.cmpi slt, %jit3A_48, %sign3A_63 : i32
    %sign3A_65 = arith.extui %sign3A_64 : i1 to i32
    %sign3A_66 = arith.subi %sign3A_62, %sign3A_65 : i32
    %ne3A_67 = vector.broadcast %sign3A_66 : i32 to vector<255x5776xi32>
    %ne3A_68 = arith.cmpi ne, %sign3A_59, %ne3A_67 : vector<255x5776xi32>
    %rem3A_69 = vector.broadcast %jit3A_48 : i32 to vector<255x5776xi32>
    %rem3A_70 = arith.remsi %iota3A, %rem3A_69 : vector<255x5776xi32>
    %ne3A_71 = arith.constant 0 : i32
    %ne3A_72 = vector.broadcast %ne3A_71 : i32 to vector<255x5776xi32>
    %ne3A_73 = arith.cmpi ne, %rem3A_70, %ne3A_72 : vector<255x5776xi32>
    %and3A_74 = arith.andi %ne3A_68, %ne3A_73 : vector<255x5776xi1>
    %sub3A_75 = arith.constant 1 : i32
    %sub3A_76 = vector.broadcast %sub3A_75 : i32 to vector<255x5776xi32>
    %sub3A_77 = arith.subi %div3A_50, %sub3A_76 : vector<255x5776xi32>
    %select_n3A_78 = arith.select %and3A_74, %sub3A_77, %div3A_50 : vector<255x5776xi1>, vector<255x5776xi32>
    %mul3A = arith.constant 85 : i32
    %mul3A_79 = vector.broadcast %mul3A : i32 to vector<255x5776xi32>
    %mul3A_80 = arith.muli %select_n3A_78, %mul3A_79 : vector<255x5776xi32>
    %sub3A_81 = arith.subi %iota3A, %mul3A_80 : vector<255x5776xi32>
    %eq3A_82 = arith.constant 0 : i32
    %eq3A_83 = vector.broadcast %eq3A_82 : i32 to vector<255x5776xi32>
    %eq3A_84 = arith.cmpi eq, %select_n3A_78, %eq3A_83 : vector<255x5776xi32>
    %eq3A_85 = arith.constant 1 : i32
    %eq3A_86 = vector.broadcast %eq3A_85 : i32 to vector<255x5776xi32>
    %eq3A_87 = arith.cmpi eq, %select_n3A_78, %eq3A_86 : vector<255x5776xi32>
    %jit3A_88 = arith.constant 1.600000e+01 : f32
    %jit3A_89 = arith.constant 3.300000e+01 : f32
    %broadcast_in_dim3A = vector.broadcast %jit3A_88 : f32 to vector<255x5776xf32>
    %broadcast_in_dim3A_90 = vector.broadcast %jit3A_89 : f32 to vector<255x5776xf32>
    %select_n3A_91 = arith.select %eq3A_87, %broadcast_in_dim3A, %broadcast_in_dim3A_90 : vector<255x5776xi1>, vector<255x5776xf32>
    %jit3A_92 = arith.constant 1.000000e+01 : f32
    %broadcast_in_dim3A_93 = vector.broadcast %jit3A_92 : f32 to vector<255x5776xf32>
    %select_n3A_94 = arith.select %eq3A_84, %broadcast_in_dim3A_93, %select_n3A_91 : vector<255x5776xi1>, vector<255x5776xf32>
    %eq3A_95 = arith.constant 0 : i32
    %eq3A_96 = vector.broadcast %eq3A_95 : i32 to vector<255x5776xi32>
    %eq3A_97 = arith.cmpi eq, %select_n3A_78, %eq3A_96 : vector<255x5776xi32>
    %eq3A_98 = arith.constant 1 : i32
    %eq3A_99 = vector.broadcast %eq3A_98 : i32 to vector<255x5776xi32>
    %eq3A_100 = arith.cmpi eq, %select_n3A_78, %eq3A_99 : vector<255x5776xi32>
    %jit3A_101 = arith.constant 3.000000e+01 : f32
    %jit3A_102 = arith.constant 2.300000e+01 : f32
    %broadcast_in_dim3A_103 = vector.broadcast %jit3A_101 : f32 to vector<255x5776xf32>
    %broadcast_in_dim3A_104 = vector.broadcast %jit3A_102 : f32 to vector<255x5776xf32>
    %select_n3A_105 = arith.select %eq3A_100, %broadcast_in_dim3A_103, %broadcast_in_dim3A_104 : vector<255x5776xi1>, vector<255x5776xf32>
    %jit3A_106 = arith.constant 1.300000e+01 : f32
    %broadcast_in_dim3A_107 = vector.broadcast %jit3A_106 : f32 to vector<255x5776xf32>
    %select_n3A_108 = arith.select %eq3A_97, %broadcast_in_dim3A_107, %select_n3A_105 : vector<255x5776xi1>, vector<255x5776xf32>
    %eq3A_109 = arith.constant 2 : i32
    %eq3A_110 = vector.broadcast %eq3A_109 : i32 to vector<255x5776xi32>
    %eq3A_111 = arith.cmpi eq, %sub3A_81, %eq3A_110 : vector<255x5776xi32>
    %eq3A_112 = arith.constant 3 : i32
    %eq3A_113 = vector.broadcast %eq3A_112 : i32 to vector<255x5776xi32>
    %eq3A_114 = arith.cmpi eq, %sub3A_81, %eq3A_113 : vector<255x5776xi32>
    %or3A = arith.ori %eq3A_111, %eq3A_114 : vector<255x5776xi1>
    %neg3A = arith.constant 0.000000e+00 : f32
    %neg3A_115 = vector.broadcast %neg3A : f32 to vector<255x5776xf32>
    %neg3A_116 = arith.subf %neg3A_115, %get3A_3 : vector<255x5776xf32>
    %select_n3A_117 = arith.select %or3A, %get3A_3, %neg3A_116 : vector<255x5776xi1>, vector<255x5776xf32>
    %exp3A = math.exp %select_n3A_117 : vector<255x5776xf32>
    %select_n3A_118 = arith.select %eq3A_111, %select_n3A_94, %select_n3A_108 : vector<255x5776xi1>, vector<255x5776xf32>
    %mul3A_119 = arith.mulf %exp3A, %select_n3A_118 : vector<255x5776xf32>
    %add3A_120 = arith.constant 1.000000e+00 : f32
    %add3A_121 = vector.broadcast %add3A_120 : f32 to vector<255x5776xf32>
    %add3A_122 = arith.addf %add3A_121, %exp3A : vector<255x5776xf32>
    %div3A_123 = arith.constant 1.000000e+00 : f32
    %div3A_124 = vector.broadcast %div3A_123 : f32 to vector<255x5776xf32>
    %div3A_125 = arith.divf %div3A_124, %add3A_122 : vector<255x5776xf32>
    %select_n3A_126 = arith.select %or3A, %mul3A_119, %div3A_125 : vector<255x5776xi1>, vector<255x5776xf32>
    %eq3A_127 = arith.constant 0 : i32
    %eq3A_128 = vector.broadcast %eq3A_127 : i32 to vector<255x5776xi32>
    %eq3A_129 = arith.cmpi eq, %sub3A_81, %eq3A_128 : vector<255x5776xi32>
    %eq3A_130 = arith.constant 1 : i32
    %eq3A_131 = vector.broadcast %eq3A_130 : i32 to vector<255x5776xi32>
    %eq3A_132 = arith.cmpi eq, %sub3A_81, %eq3A_131 : vector<255x5776xi32>
    %jit3A_133 = arith.constant 0.000000e+00 : f32
    %broadcast_in_dim3A_134 = vector.broadcast %jit3A_133 : f32 to vector<255x5776xf32>
    %select_n3A_135 = arith.select %eq3A_132, %convert_element_type3A_47, %broadcast_in_dim3A_134 : vector<255x5776xi1>, vector<255x5776xf32>
    %select_n3A_136 = arith.select %eq3A_129, %convert_element_type3A, %select_n3A_135 : vector<255x5776xi1>, vector<255x5776xf32>
    %lt3A_137 = arith.constant 2 : i32
    %lt3A_138 = vector.broadcast %lt3A_137 : i32 to vector<255x5776xi32>
    %lt3A_139 = arith.cmpi slt, %sub3A_81, %lt3A_138 : vector<255x5776xi32>
    %jit3A_140 = arith.constant 8.000000e+00 : f32
    %jit3A_141 = arith.constant 1.000000e+00 : f32
    %broadcast_in_dim3A_142 = vector.broadcast %jit3A_140 : f32 to vector<255x5776xf32>
    %broadcast_in_dim3A_143 = vector.broadcast %jit3A_141 : f32 to vector<255x5776xf32>
    %select_n3A_144 = arith.select %lt3A_139, %broadcast_in_dim3A_142, %broadcast_in_dim3A_143 : vector<255x5776xi1>, vector<255x5776xf32>
    %add3A_145 = arith.addf %select_n3A_126, %select_n3A_136 : vector<255x5776xf32>
    %mul3A_146 = arith.mulf %add3A_145, %select_n3A_144 : vector<255x5776xf32>
    %transpose3A = tpu.transpose %mul3A_146, [1, 0] : vector<255x5776xf32> -> vector<5776x255xf32>
    %swap3A = arith.constant 0 : index
    %swap3A_147 = arith.constant 0 : index
    %swap3A_148 = arith.constant 0 : index
    %swap3A_149 = vector.load %arg2[%swap3A, %swap3A_147, %swap3A_148] : memref<1x5776x255xf32, #tpu.memory_space<vmem>>, vector<1x5776x255xf32>
    %swap3A_150 = vector.shape_cast %swap3A_149 : vector<1x5776x255xf32> to vector<5776x255xf32>
    %swap3A_151 = vector.shape_cast %transpose3A : vector<5776x255xf32> to vector<1x5776x255xf32>
    tpu.vector_store %arg2[%swap3A, %swap3A_147, %swap3A_148], %swap3A_151 {strides = array<i32>} : memref<1x5776x255xf32, #tpu.memory_space<vmem>>, vector<1x5776x255xf32>,
    return
  }
  func.func @transform_0(%arg0: i32) -> (i32, i32, i32) {
    %c0_i32 = arith.constant 0 : i32
    %c0_i32_0 = arith.constant 0 : i32
    %c0_i32_1 = arith.constant 0 : i32
    return %arg0, %c0_i32, %c0_i32_0 : i32, i32, i32
  }
  func.func @transform_1(%arg0: i32) -> (i32, i32, i32) {
    %c0_i32 = arith.constant 0 : i32
    %c0_i32_0 = arith.constant 0 : i32
    %c0_i32_1 = arith.constant 0 : i32
    return %arg0, %c0_i32, %c0_i32_0 : i32, i32, i32
  }
}

</mosaic_0001>

<sc_bundles>
// kernel: sparse-core-data-format-call.cloned.1.call-start
scs
called_computation_lowered:
.L_overlay_start_0:
0x0: {  	s2 =	sld [smem:$0x3FD9]  }
0x1: {  	s3 =	sld [smem:$0x3FFE];
	_ =	sdelay $0x1  }
0x2: {  	s1 =	srdreg.scid  }
0x3: {  	s0 =	sand.u32 $0x1, s1  }
0x4: {  	s18 =	sshll.u32 s0, $0xA;
	s2 =	sadd.s32 s3, s2  }
0x5: {  	s2 =	sadd.s32 s2, s18  }
0x6: {  	[smem:$0x3FC7] =	sst s2  }
0x7: {  	_ = 	snop  }
0x8: {  	s2 =	sld [smem:$0x3FD0];
	(tm) =	ssettm $0x1  }
0x9: {  	s19 =	sld [smem:$0x3FFB];
	_ =	sdelay $0x3  }
0xa: {  	_ =	strace s19  }
0xb: {  	s3 =	sld [smem:$0x3FFC];
	_ =	sdelay $0x3  }
0xc: {  	_ =	strace s3  }
0xd: {  	s3 =	sld [smem:$0x3FFD];
	_ =	sdelay $0x3  }
0xe: {  	_ =	strace s3  }
0xf: {  	_ =	strace $0x8FFFFFFF  }
0x10: {  	s20 =	sld [smem:$0x3FDB];
	_ =	sdelay $0x1  }
0x11: {  	s4 =	simm.s32 $_scs_section_size  }
0x12: {  	s5 =	simm.s32 $_size__tile_overlayer_lowered;
	s6 =	simm.s32 $_tile_overlayer_lowered  }
0x13: {  	s23 =	simm.s32 $0x1BFF;
	s22 =	sshll.u32 s6, $0x1;
	s3 =	sadd.s32 s4, s20  }
0x14: {  	s7 =	simm.s32 $0x0;
	s21 =	sshll.u32 s5, $0x1;
	s5 =	sadd.s32 s22, s3  }
0x15: {  	[timem:s7], [sflag:s23] =	dma.local [hbm:s5], s21  }
0x16: {  	_ =	swait.ge [sflag:s23], s21  }
0x17: {  	s4 =	ssub.s32 $0x0, s21;
	[sflag:s23] =	ssyncset.done $0x0  }
0x18: {  	[sflag:s23] =	ssyncadd.s32 s4;
	_ =	sdelay $0x1  }
0x19: {  	s24 =	simm.s32 $0x1B8B  }
0x1a: {  	_ =	swait.ge [sflag:s24], $0x1  }
0x1b: {  	[sflag:s24] =	ssyncset.done $0x0  }
0x1c: {  	s26 =	simm.s32 $0x1B8E;
	s25 =	sld [smem:$0x3FFE];
	[sflag:s24] =	ssyncadd.s32 $0xFFFFFFFF  }
0x1d: {  	s27 =	simm.s32 $execute0_lowered;
	[smem:$0x3FD2] =	sst s26  }
0x1e: {  	s5 =	sshll.u32 s27, $0x1;
	_ =	strace $0x80000046;
	[dreg:$0x1] =	wrdreg $0xFFFFFFFF  }
0x1f: {  	s28 =	simm.s32 $_size_execute0_lowered;
	s3 =	sadd.s32 s3, s5;
	[dreg:$0x0] =	wrdreg $0x0  }
0x20: {  	s5 =	sshll.u32 s28, $0x1;
	[dreg:$0x2] =	wrdreg s3  }
0x21: {  	[dreg:$0x3] =	wrdreg s5  }
0x22: {  	[dreg:$0x4] =	wrdreg $0xC0  }
0x23: {  	_ =	task [dreg:s7], $0x5FFFF  }
0x24: {  	[dreg:$0x1] =	wrdreg $0xFFFFFFFF  }
0x25: {  	[dreg:$0x0] =	wrdreg $0x60  }
0x26: {  	[dreg:$0x2] =	wrdreg s25  }
0x27: {  	[dreg:$0x3] =	wrdreg s2  }
0x28: {  	[dreg:$0x4] =	wrdreg $0x9  }
0x29: {  	_ =	task.clear_ibuf [dreg:s7], $0x5FFFF;
	_ =	strace $0x90000046  }
0x2a: {  	s29 =	simm.s32 $0x9;
	_ =	strace $0x80000048  }
0x2b: {  	_ =	swait.ge [sflag:s29], $0x1  }
0x2c: {  	[sflag:s29] =	ssyncadd.s32 $0xFFFFFFFF  }
0x2d: {  	_ =	strace $0x90000048  }
0x2e: {  	_ =	sfence  }
0x2f: {  	s30 =	sld [smem:$0x0];
	_ =	sdelay $0x2  }
0x30: {  	s31 =	sshll.u32 s1, $0xD;
	s1 =	sshrl.u32 s1, $0x2  }
0x31: {  	s3 =	sand.u32 $0x4000, s31;
	s1 =	sadd.s32 s1, s30  }
0x32: {  	s0 =	sor.u32 s3, s0;
	s1 =	sshll.u32 s1, $0x11  }
0x33: {  	s0 =	sor.u32 s1, s0  }
0x34: {  	s0 =	sadd.s32 $0x8F2B, s0  }
0x35: {  	[sflag:s0] =	ssyncadd.remote.s32 $0x1  }
0x36: {  	_ =	sfence.sel $0xFFFF  }
0x37: {  	[dreg:$0x0] =	wrdreg $0xFFFFFFFF;
	(pc) =	sbr.abs _section_cstart, $3  }
0x38: {  	[dreg:$0x1] =	wrdreg $0xFFFFFFFF  }
0x39: {  	_ =	task.clear_ibuf [dreg:s7], $0x2FFFF;
	_ =	strace $0x9FFFFFFF  }
0x3a: {  	(tm) =	ssettm $0x7FFFFFFF  }
0x3b: {  	_ =	shalt  }
tec
execute0_lowered:
.L_overlay_start_1:
0x0: {  	(tag) =	ssettag $0x1  }
0x1: {  	s0 =	rddreg [dreg:$0x0];
	_ =	strace $0x80000047  }
0x2: {  	s2 =	stileid.u32;
	s30 =	srdreg.scid;
	s4 =	simm.s32 $0x1  }
0x3: {  	s31 =	simm.s32 $0x2;
	s13 =	simm.s32 $0x0;
	s14 =	simm.s32 $0x0  }
.Ltmp0:
0x4: {  	s9 =	simm.s32 $0x0;
	s11 =	simm.s32 $0x0;
	(pc) =	sbr.rel .LBB1_1-.Ltmp0, $4  }
0x5: {  	s3 =	sadd.s32 $0x400, s0;
	s1 =	sshll.u32 s2, $0x4;
	s0 =	sshll.u32 s30, $0x8  }
0x6: {  	s8 =	simm.s32 $0x0;
	s22 =	simm.s32 $0x0;
	s0 =	sor.u32 s1, s0  }
0x7: {  	[sflag:s4] =	ssyncpa.u1 $0x0;
	s5 =	sand.u32 $0x7, s2;
	s6 =	sand.u32 $0x180, s0  }
0x8: {  	[sflag:s31] =	ssyncpa.u1 $0x0;
	s12 =	smov.u32 s5;
	s10 =	smov.u32 s6  }
.LBB1_11:
0x9: {  	s0 =	sshrl.u32 s11, $0x3;
	s1 =	sshll.u32 s9, $0x3  }
0xa: {  	s2 =	sshll.u32 s11, $0x7;
	s4 =	sand.u32 $0x7F, s9;
	s0 =	smul.u32 $0x22000, s0  }
0xb: {  	p0 =	sgt.s32 s9, $0x4380;
	s1 =	sand.u32 $0xFFFFFC00, s1;
	s2 =	sand.u32 $0x380, s2  }
0xc: {  	s27 =	sor.u32 s4, s2;
	s2 =	smov.u32 s9;
	s0 =	sadd.s32 s0, s1  }
0xd: {  	s2 =	simm.s32 @!p0 $0x4380;
	s1 =	sor.u32 s0, s27  }
0xe: {  	s2 =	sadd.s32 s16, s2;
	s28 =	smulhi.u32 $0xF0F0F0F1, s1  }
0xf: {  	s0 =	smulhi.u32 $0xF0F0F0F1, s0;
	s7 =	sadd.s32 $0xFFFFBC80, s2  }
0x10: {  	s2 =	ssub.s32 $0x4400, s2;
	p0 =	sgt.s32 s7, $0x7F;
	s4 =	sshrl.u32 s28, $0xE  }
0x11: {  	s0 =	sshrl.u32 s0, $0xE;
	s2 =	simm.s32 @p0 $0x0;
	s4 =	smul.u32 $0x4400, s4  }
0x12: {  	s29 =	rddreg [dreg:$0x1];
	s0 =	sand.u32 $0x7, s0;
	s2 =	smul.u32 s2, s15  }
0x13: {  	s30 =	sor.u32 $0x8000, s17;
	s0 =	smul.u32 $0x880, s0;
	s1 =	ssub.s32 s1, s4  }
0x14: {  	s2 =	smul.u32 $0x55, s2;
	s4 =	sshrl.u32 s1, $0x3;
	s1 =	sand.u32 $0x7, s1  }
0x15: {  	s31 =	simm.s32 $0x22000;
	s4 =	sadd.s32 s29, s4;
	s1 =	sshll.u32 s1, $0x12  }
0x16: {  	s2 =	sand.u32 $0x3FFFFFFF, s2;
	s0 =	sadd.s32 s0, s4;
	s1 =	sor.u32 $0x80, s1  }
0x17: {  	[hbm4b:s0+s1] =	stream.strided.scatter [tilespmem:s30], [sflag:$0x2], s2, s31, s1, $0x20;
	[tilespmem:$0x10100] =	vst v63  }
.LBB1_12:
0x18: {  	p0 =	slt.u32 s8, $0x2  }
0x19: {  	s1 =	smov.u32 s14;
	s2 =	smov.u32 s13;
	p1 =	sgt.s32 @!p0 s14, $0x7  }
0x1a: {  	s0 =	sshra.s32 @!p0 s14, $0x1F;
	p2 =	sgt.s32 @!p0 s13, $0x4380;
	s4 =	sshra.s32 @!p0 s13, $0x1F  }
0x1b: {  	p1 =	por !p1, p0;
	s0 =	sand.u32 @!p0 s0, s14;
	p2 =	por !p2, p0  }
0x1c: {  	s4 =	sand.u32 @!p0 s4, s13;
	s1 =	simm.s32 @p1 $0x7;
	s2 =	simm.s32 @p2 $0x4380  }
0x1d: {  	s0 =	ssub.s32 @!p0 s1, s0;
	s1 =	ssub.s32 @!p0 s2, s4  }
0x1e: {  	s2 =	sadd.s32 @!p0 $0xFFFFFFF9, s0;
	s0 =	ssub.s32 @!p0 $0x8, s0;
	s4 =	sadd.s32 @!p0 $0xFFFFBC80, s1  }
0x1f: {  	p1 =	sgt.s32 @!p0 s2, $0x0;
	s0 =	smul.u32 @!p0 $0x55, s0;
	p2 =	sgt.s32 @!p0 s4, $0x7F  }
0x20: {  	s1 =	ssub.s32 @!p0 $0x4400, s1;
	p1 =	por !p1, p0;
	p2 =	por !p2, p0  }
0x21: {  	s0 =	simm.s32 @!p1 $0x0;
	s1 =	simm.s32 @!p2 $0x0  }
0x22: {  	s0 =	smul.u32 @!p0 s1, s0;
	s1 =	sadd.s32 $0x200, s10  }
0x23: {  	s7 =	smov.u32 s12;
	s4 =	sadd.s32 $0x8, s12;
	p1 =	sgt.s32 s1, $0x43AF  }
0x24: {  	s7 =	smov.u32 @p1 s4  }
0x25: {  	s8 =	sadd.s32 $0x1, s8;
	s1 =	smov.u32 @p1 s6;
	p1 =	sgt.s32 s7, $0x7  }
0x26: {  	s7 =	smov.u32 @p1 s5;
	p1 =	sne.s32 s8, $0x24  }
.Ltmp1:
0x27: {  	_ = 	snop;
	(pc) =	sbr.rel @!p1 .LBB1_13-.Ltmp1, $4  }
0x28: {  	s13 =	smov.u32 s9;
	s2 =	simm.s32 @!p0 $0x2;
	s0 =	sand.u32 @!p0 $0x3FFFFFFF, s0  }
0x29: {  	s14 =	smov.u32 s11;
	s9 =	smov.u32 s10;
	_ =	swait.ge @!p0 [sflag:s2], s0  }
0x2a: {  	s11 =	smov.u32 s12;
	s0 =	ssub.s32 @!p0 $0x0, s0;
	[sflag:s2] =	ssyncset.done @!p0 $0x0  }
0x2b: {  	s10 =	smov.u32 s1;
	[sflag:s2] =	ssyncadd.s32 @!p0 s0;
	s12 =	smov.u32 s7  }
.LBB1_1:
0x2c: {  	p0 =	sgt.u32 s8, $0x21;
	s1 =	smov.u32 s12  }
0x2d: {  	s15 =	smov.u32 s10;
	p1 =	sgt.s32 @!p0 s12, $0x7;
	s0 =	sand.u32 @!p0 $0x1FFFFFF, s10  }
0x2e: {  	s7 =	sshra.s32 @!p0 s12, $0x1F;
	s16 =	sshra.s32 @!p0 s10, $0x1F;
	p1 =	por !p1, p0  }
0x2f: {  	s2 =	smulhi.u32 @!p0 $0x7906DB, s0;
	s1 =	simm.s32 @p1 $0x7;
	p1 =	sgt.s32 @!p0 s10, $0x4330  }
0x30: {  	s7 =	sand.u32 @!p0 s7, s12;
	s16 =	sand.u32 @!p0 s16, s10;
	p1 =	por !p1, p0  }
0x31: {  	s1 =	ssub.s32 @!p0 s1, s7;
	s2 =	sshrl.u32 @!p0 s2, $0x5;
	s15 =	simm.s32 @p1 $0x4330  }
0x32: {  	s1 =	sadd.s32 @!p0 $0xFFFFFFF9, s1;
	s2 =	smul.u32 @!p0 $0x43B0, s2;
	s7 =	ssub.s32 @!p0 s15, s16  }
0x33: {  	p1 =	sgt.s32 @!p0 s1, $0x0;
	s1 =	sshll.u32 @!p0 s1, $0x7;
	s15 =	sadd.s32 @!p0 $0xFFFFBCD0, s7  }
0x34: {  	s16 =	smul.u32 @!p0 $0x43B00, s12;
	s7 =	ssub.s32 @!p0 $0x43B0, s7;
	p2 =	sgt.s32 @!p0 s15, $0x7F  }
0x35: {  	s1 =	ssub.s32 @!p0 $0x80, s1;
	p1 =	por !p1, p0;
	p2 =	por !p2, p0  }
0x36: {  	s15 =	sxor.u32 @!p0 $0xFFFFFFFF, s8;
	s1 =	simm.s32 @!p1 $0x0;
	s7 =	simm.s32 @!p2 $0x0  }
0x37: {  	s0 =	ssub.s32 @!p0 s0, s2;
	s2 =	sshll.u32 @!p0 s15, $0xE;
	s1 =	smul.u32 @!p0 s7, s1  }
0x38: {  	s0 =	sshll.u32 @!p0 s0, $0x4;
	s2 =	sand.u32 @!p0 $0x4000, s2;
	s7 =	sadd.s32 @!p0 s3, s16  }
0x39: {  	s0 =	sadd.s32 @!p0 s0, s7;
	s7 =	simm.s32 @!p0 $0x0;
	s1 =	sand.u32 @!p0 $0x3FFFFF80, s1  }
0x3a: {  	[tilespmem:s2], [sflag:$0x1] =	stream.linear.gather @!p0 [hbm4b:s0+s7], s1, $0x38;
	[tilespmem:$0x10100] =	vst v63  }
0x3b: {  	p0 =	seq.s32 s8, $0x0  }
0x3c: {  	p1 =	seq.s32 @!p0 s8, $0x23  }
0x3d: {  	p0 =	por p0, p1  }
.Ltmp2:
0x3e: {  	_ = 	snop;
	(pc) =	sbr.rel @p0 .LBB1_12-.Ltmp2, $1  }
0x3f: {  	_ =	sdelay $0x3  }
0x40: {  	p0 =	sgt.s32 s11, $0x7  }
0x41: {  	s0 =	smov.u32 s11;
	s1 =	sshra.s32 s11, $0x1F;
	s2 =	ssub.s32 $0x0, s9  }
0x42: {  	s7 =	sshra.s32 s9, $0x1F;
	s0 =	simm.s32 @!p0 $0x7;
	s1 =	sand.u32 s1, s11  }
0x43: {  	s15 =	smov.u32 s9;
	p0 =	sgt.s32 s9, $0x4330;
	s0 =	ssub.s32 s0, s1  }
0x44: {  	s16 =	sand.u32 s2, s7;
	s15 =	simm.s32 @!p0 $0x4330;
	s1 =	sadd.s32 $0xFFFFFFF9, s0  }
0x45: {  	s2 =	sadd.s32 s16, s15;
	s15 =	ssub.s32 $0x8, s0;
	p0 =	sgt.s32 s1, $0x0  }
0x46: {  	s29 =	sadd.s32 $0xFFFFBCD0, s2;
	s0 =	ssub.s32 $0x43B0, s2;
	s1 =	sadd.s32 $0x1, s11  }
0x47: {  	s2 =	sadd.s32 $0x80, s9;
	s15 =	simm.s32 @p0 $0x0;
	p0 =	slt.s32 s1, $0x8  }
0x48: {  	s1 =	simm.s32 @!p0 $0x8;
	p0 =	slt.s32 s2, $0x43B0  }
0x49: {  	p1 =	sgt.s32 s29, $0x7F;
	s18 =	ssub.s32 s1, s11;
	s2 =	simm.s32 @!p0 $0x43B0  }
0x4a: {  	s0 =	simm.s32 @p1 $0x0;
	s19 =	ssub.s32 s2, s9;
	p0 =	slt.s32 s18, $0x1  }
0x4b: {  	s0 =	smul.u32 s0, s15;
	p1 =	slt.s32 @!p0 s19, $0x1  }
0x4c: {  	p1 =	por p0, p1  }
.Ltmp3:
0x4d: {  	s0 =	sshll.u32 s0, $0x7;
	(pc) =	sbr.rel @p1 .LBB1_11-.Ltmp3, $4  }
0x4e: {  	s31 =	simm.s32 $0x1;
	s30 =	sand.u32 $0x3FFFFF80, s0  }
0x4f: {  	_ =	swait.ge [sflag:s31], s30  }
0x50: {  	s0 =	sand.u32 $0x1, s8;
	s1 =	ssub.s32 $0x0, s30;
	[sflag:s31] =	ssyncset.done $0x0  }
0x51: {  	s17 =	smul.u32 $0x4080, s0;
	[sflag:s31] =	ssyncadd.s32 s1  }
0x52: {  	_ = 	snop  }
0x53: {  	s20 =	sshll.u32 @!p0 s0, $0xE;
	s23 =	simm.s32 $0x0;
	s21 =	sor.u32 @!p0 $0x8000, s17  }
.LBB1_4:
0x54: {  	s0 =	sshll.u32 s23, $0x10  }
0x55: {  	s0 =	sshra.s32 s0, $0x2  }
0x56: {  	s0 =	sadd.s32 s0, s20  }
0x57: {  	v0 =	vmov s0  }
0x58: {  	s31 =	sand.u32 $0x7, s23  }
0x59: {  	s0 =	smul.u32 $0x204, s31;
	_ =	sdelay $0x1  }
0x5a: {  	p1 =	sne.s32 s19, $0x1;
	s1 =	sshrl.u32 s0, $0x2;
	s0 =	sand.u32 $0x3F80, s22  }
.Ltmp4:
0x5b: {  	v11 =	vld.idx.msk [tilespmem:v0+s0+$0x0 ss:$0x1], $0xffff;
	(pc) =	sbr.rel @!p1 .LBB1_5-.Ltmp4, $4  }
0x5c: {  	s2 =	simm.s32 $0x1;
	v8 =	vld.idx.msk [tilespmem:v0+s0+$0x10 ss:$0x1], $0xffff  }
0x5d: {  	s7 =	simm.s32 $0x80;
	p0 =	por $0x0, $0x0;
	s29 =	sadd.s32 s1, s21;
	v9 =	vld.idx.msk [tilespmem:v0+s0+$0x20 ss:$0x1], $0xffff  }
0x5e: {  	s1 =	sand.u32 $0x7F, s22;
	s27 =	sadd.s32 $0x810, s29;
	s28 =	sadd.s32 $0x1020, s29;
	v10 =	vld.idx.msk [tilespmem:v0+s0+$0x30 ss:$0x1], $0xffff  }
0x5f: {  	s26 =	sadd.s32 $0x1830, s29;
	s25 =	sadd.s32 $0x2040, s29;
	s24 =	sadd.s32 $0x2850, s29;
	v7 =	vld.idx.msk [tilespmem:v0+s0+$0x40 ss:$0x1], $0xffff  }
0x60: {  	_ =	sdelay $0x3  }
0x61: {  	s31 =	sand.u32 $0x3F80, s7;
	s4 =	sadd.s32 s1, s29;
	v1 =	vld.idx.msk [tilespmem:v0+s0+$0x50 ss:$0x1], $0xffff;
	p1 =	sne.s32 s19, $0x2  }
.Ltmp5:
0x62: {  	s7 =	sadd.s32 s1, s27;
	v2 =	vld.idx.msk [tilespmem:v0+s31+$0x0 ss:$0x1], $0xffff;
	[tilespmem:s4+$0x0 ss:$0x81] =	vst.msk $0xffff, v11;
	(pc) =	sbr.rel @!p1 .LBB1_7-.Ltmp5, $4  }
0x63: {  	v3 =	vld.idx.msk [tilespmem:v0+s31+$0x10 ss:$0x1], $0xffff;
	[tilespmem:s7+$0x0 ss:$0x81] =	vst.msk $0xffff, v8;
	s4 =	sadd.s32 s1, s28  }
0x64: {  	v4 =	vld.idx.msk [tilespmem:v0+s31+$0x20 ss:$0x1], $0xffff;
	[tilespmem:s4+$0x0 ss:$0x81] =	vst.msk $0xffff, v9;
	s4 =	sadd.s32 s1, s26  }
0x65: {  	s0 =	simm.s32 $0x2;
	s30 =	sand.u32 $0x7F, s2;
	v5 =	vld.idx.msk [tilespmem:v0+s31+$0x30 ss:$0x1], $0xffff;
	[tilespmem:s4+$0x0 ss:$0x81] =	vst.msk $0xffff, v10;
	s4 =	sadd.s32 s1, s25  }
0x66: {  	s2 =	simm.s32 $0x100;
	p0 =	por $0x1, $0x1;
	v6 =	vld.idx.msk [tilespmem:v0+s31+$0x40 ss:$0x1], $0xffff;
	s7 =	sadd.s32 s1, s24;
	[tilespmem:s4+$0x0 ss:$0x81] =	vst.msk $0xffff, v7  }
.LBB1_8:
0x67: {  	s4 =	smov.u32 s0;
	s0 =	sadd.s32 $0x1, s0  }
0x68: {  	s1 =	sadd.s32 s30, s29;
	[tilespmem:s7+$0x0 ss:$0x81] =	vst.msk $0xffff, v1;
	v1 =	vld.idx.msk [tilespmem:v0+s31+$0x50 ss:$0x1], $0xffff;
	s31 =	sand.u32 $0x3F80, s2;
	p1 =	sne.s32 s19, s0  }
.Ltmp6:
0x69: {  	[tilespmem:s1+$0x0 ss:$0x81] =	vst.msk $0xffff, v2;
	v2 =	vld.idx.msk [tilespmem:v0+s31+$0x0 ss:$0x1], $0xffff;
	s1 =	sadd.s32 s30, s27;
	(pc) =	sbr.rel @p1 .LBB1_8-.Ltmp6, $4  }
0x6a: {  	[tilespmem:s1+$0x0 ss:$0x81] =	vst.msk $0xffff, v3;
	v3 =	vld.idx.msk [tilespmem:v0+s31+$0x10 ss:$0x1], $0xffff;
	s1 =	sadd.s32 s30, s28  }
0x6b: {  	[tilespmem:s1+$0x0 ss:$0x81] =	vst.msk $0xffff, v4;
	v4 =	vld.idx.msk [tilespmem:v0+s31+$0x20 ss:$0x1], $0xffff;
	s1 =	sadd.s32 s30, s26  }
0x6c: {  	[tilespmem:s1+$0x0 ss:$0x81] =	vst.msk $0xffff, v5;
	v5 =	vld.idx.msk [tilespmem:v0+s31+$0x30 ss:$0x1], $0xffff;
	s1 =	sadd.s32 s30, s25  }
0x6d: {  	s2 =	sadd.s32 $0x80, s2;
	s7 =	sadd.s32 s30, s24;
	s30 =	sand.u32 $0x7F, s4;
	[tilespmem:s1+$0x0 ss:$0x81] =	vst.msk $0xffff, v6;
	v6 =	vld.idx.msk [tilespmem:v0+s31+$0x40 ss:$0x1], $0xffff  }
0x6e: {  	_ =	sdelay $0x3  }
0x6f: {  	s1 =	smov.u32 s30;
	s0 =	smov.u32 s31;
	v11 =	vmovc v2;
	v8 =	vmovc v3;
	v9 =	vmov v4;
	v10 =	vmov v5;
	v7 =	vmov v6  }
.LBB1_10:
0x70: {  	_ =	sdelay $0x2  }
0x71: {  	s2 =	sadd.s32 s1, s29;
	[tilespmem:s7+$0x0 ss:$0x81] =	vst.msk @p0 $0xffff, v1;
	s23 =	sadd.s32 $0x1, s23  }
0x72: {  	v0 =	vld.idx.msk [tilespmem:v0+s0+$0x50 ss:$0x1], $0xffff;
	s27 =	sadd.s32 s1, s27;
	[tilespmem:s2+$0x0 ss:$0x81] =	vst.msk $0xffff, v11;
	p0 =	sne.s32 s23, s18  }
.Ltmp7:
0x73: {  	s28 =	sadd.s32 s1, s28;
	[tilespmem:s27+$0x0 ss:$0x81] =	vst.msk $0xffff, v8;
	(pc) =	sbr.rel @p0 .LBB1_4-.Ltmp7, $4  }
.Ltmp8:
0x74: {  	s29 =	sadd.s32 s1, s26;
	[tilespmem:s28+$0x0 ss:$0x81] =	vst.msk $0xffff, v9;
	(pc) =	sbr.rel @!p0 .LBB1_11-.Ltmp8, $4  }
0x75: {  	s30 =	sadd.s32 s1, s25;
	[tilespmem:s29+$0x0 ss:$0x81] =	vst.msk $0xffff, v10  }
0x76: {  	s31 =	sadd.s32 s1, s24;
	[tilespmem:s30+$0x0 ss:$0x81] =	vst.msk $0xffff, v7  }
0x77: {  	[tilespmem:s31+$0x0 ss:$0x81] =	vst.msk $0xffff, v0  }
0x78: {  	_ = 	snop  }
.LBB1_5:
.Ltmp9:
0x79: {  	(pc) =	sbr.rel .LBB1_10-.Ltmp9, $2  }
0x7a: {  	_ =	sdelay $0x2  }
0x7b: {  	_ = 	snop  }
.LBB1_7:
.Ltmp10:
0x7c: {  	_ = 	snop;
	(pc) =	sbr.rel .LBB1_10-.Ltmp10, $2  }
0x7d: {  	_ =	sdelay $0x2  }
0x7e: {  	s1 =	smov.u32 s30;
	s0 =	smov.u32 s31;
	v11 =	vmovc v2;
	v8 =	vmovc v3;
	v9 =	vmov v4;
	v10 =	vmov v5;
	v7 =	vmov v6  }
.LBB1_13:
0x7f: {  	_ =	sfence.sel $0x180000  }
0x80: {  	s0 =	simm.s32 $0x1;
	[bflag:$0x0] =	sbarrier.arrive $0xFFFF  }
0x81: {  	s30 =	simm.s32 $0x2;
	[sflag:s0] =	ssyncpa.u1 $0x1  }
0x82: {  	[sflag:s30] =	ssyncpa.u1 $0x1  }
0x83: {  	_ =	strace $0x90000047  }
0x84: {  	s31 =	stileid.u32;
	[bflag:$0x2] =	sbarrier.arrive $0xFFFF  }
0x85: {  	p0 =	sne.s32 s31, $0x0;
	s0 =	rddreg [dreg:$0x2]  }
0x86: {  	s0 =	sadd.s32 @!p0 $0x100000, s0  }
0x87: {  	[sflag:s0] =	ssyncadd.tile.s32 @!p0 $0x1;
	_ =	shalt  }
.Lfunc_end1:
_tile_overlayer_lowered:
.L_overlay_start_2:
0x88: {  	(tag) =	ssettag $0x2  }
0x89: {  	s0 =	rddreg [dreg:$0x0];
	s2 =	stileid.u32  }
0x8a: {  	s1 =	rddreg [dreg:$0x1];
	p0 =	sne.s32 s2, $0x0  }
0x8b: {  	s3 =	rddreg [dreg:$0x2];
	[bflag:$0x3] =	sbarrier.arrive $0xFFFF;
	s2 =	simm.s32 @!p0 $0x1C01  }
0x8c: {  	[timem:s3], [sflag:s2] =	dma.local @!p0 [hbm:s0], s1  }
0x8d: {  	s0 =	simm.s32 @!p0 $0x1  }
0x8e: {  	_ =	swait.ge @!p0 [sflag:s0], s1  }
0x8f: {  	s1 =	ssub.s32 @!p0 $0x0, s1;
	[sflag:s0] =	ssyncset.done @!p0 $0x0  }
0x90: {  	[sflag:s0] =	ssyncadd.s32 @!p0 s1  }
0x91: {  	[bflag:$0x3] =	sbarrier.arrive $0xFFFF  }
0x92: {  	_ =	shalt  }

</sc_bundles>
